<compile_context>
chip_gen: v7x
topology: tpu7x:2x2x1
jax: 0.10.2.dev20260603
libtpu: 0.0.44.dev20260713+nightly
codegen_flags: <defaults>
</compile_context>

<pallas_src>
import functools

import jax
import jax.numpy as jnp
from jax import lax
from jax.experimental import pallas as pl
from jax.experimental.pallas import tpu as pltpu
from jax.experimental.pallas import tpu_sc as plsc

VOC = 1000
EMB = 64
B = 1024
VP = 1024
NC, NS, L = 2, 16, 16
NW = NC * NS
RPT = B // NW


def _expg_body(wc_ref, wot_ref, eg_ref):
    g = lax.dot_general(
        wc_ref[...], wot_ref[...], (((1,), (0,)), ((), ())),
        preferred_element_type=jnp.float32,
        precision=lax.Precision.HIGHEST)
    eg_ref[...] = jnp.exp(g)


_expg_call = pl.pallas_call(
    _expg_body,
    out_shape=jax.ShapeDtypeStruct((VOC, VP), jnp.float32),
)


def _sc_body(center_hbm, outside_hbm, av_hbm, eg_hbm,
             lower_hbm, top_hbm,
             center_v, outside_v, av_v, rows_v, lower_v, top_v,
             sem_rows, sem_av):
    wid = lax.axis_index("s") * NC + lax.axis_index("c")
    base = wid * RPT
    pltpu.sync_copy(center_hbm.at[pl.ds(base, RPT)], center_v)
    pltpu.sync_copy(outside_hbm.at[pl.ds(base, RPT)], outside_v)
    av_cp = pltpu.async_copy(
        av_hbm.at[pl.ds(base * VOC, RPT * VOC)], av_v, sem_av)
    rows_cp = pltpu.async_copy(eg_hbm.at[center_v], rows_v, sem_rows)
    av_cp.wait()
    rows_cp.wait()
    for g in range(RPT // L):
        lanes = g * L + lax.iota(jnp.int32, L)
        lanes_voc = lanes * VOC

        @plsc.parallel_loop(0, VOC, unroll=8,
                            carry=jnp.zeros((L,), jnp.float32))
        def acc(v, acc_in):
            avv = plsc.load_gather(av_v, [lanes_voc + v])
            return acc_in + plsc.load_gather(rows_v, [lanes, avv])

        lower_v[pl.ds(g * L, L)] = acc
        ov = outside_v[pl.ds(g * L, L)]
        top_v[pl.ds(g * L, L)] = plsc.load_gather(rows_v, [lanes, ov])
    pltpu.sync_copy(lower_v, lower_hbm.at[pl.ds(base, RPT)])
    pltpu.sync_copy(top_v, top_hbm.at[pl.ds(base, RPT)])


@functools.cache
def _sc_call():
    return pl.kernel(
        _sc_body,
        out_type=[jax.ShapeDtypeStruct((B,), jnp.float32),
                  jax.ShapeDtypeStruct((B,), jnp.float32)],
        mesh=plsc.VectorSubcoreMesh(core_axis_name="c", subcore_axis_name="s",
                                    num_cores=NC, num_subcores=NS),
        scratch_types=[
            pltpu.VMEM((RPT,), jnp.int32),
            pltpu.VMEM((RPT,), jnp.int32),
            pltpu.VMEM((RPT * VOC,), jnp.int32),
            pltpu.VMEM((RPT, VP), jnp.float32),
            pltpu.VMEM((RPT,), jnp.float32),
            pltpu.VMEM((RPT,), jnp.float32),
            pltpu.SemaphoreType.DMA,
            pltpu.SemaphoreType.DMA,
        ],
        compiler_params=pltpu.CompilerParams(needs_layout_passes=False,
                                             use_tc_tiling_on_sc=False),
    )


def _loss_body(lower_ref, top_ref, out_ref):
    out_ref[0, 0] = jnp.sum(jnp.log(lower_ref[...])
                            - jnp.log(top_ref[...])) / B


_loss_call = pl.pallas_call(
    _loss_body,
    out_shape=jax.ShapeDtypeStruct((1, 1), jnp.float32),
    out_specs=pl.BlockSpec(memory_space=pltpu.SMEM),
)


def kernel(center, outside, all_vocabs, W_center, W_outside):
    center = center.reshape(B).astype(jnp.int32)
    outside = outside.reshape(B).astype(jnp.int32)
    av = all_vocabs.astype(jnp.int32).reshape(B * VOC)
    wc = W_center.astype(jnp.float32)
    wot = jnp.pad(W_outside.astype(jnp.float32),
                  ((0, VP - VOC), (0, 0))).T
    eg = _expg_call(wc, wot)
    lower, top = _sc_call()(center, outside, av, eg)
    loss = _loss_call(lower.reshape(8, 128), top.reshape(8, 128))
    return loss[0, 0]

# --- scband reference (transcript-rebuilt; emitter-appended) ---
"""Pipeline reference for scband-skipgram-33526514712938 (READ-ONLY COPY).

The authoritative reference and input builder live on the scoring server;
editing this copy changes nothing except your own understanding.
"""

import jax, jax.numpy as jnp
import numpy as np

VOC = 1000
EMB = 64
B = 1024


def setup_inputs(seed: int = 0) -> dict:
    key = jax.random.key(seed)
    k1, k2, k3, k4, k5 = jax.random.split(key, 5)
    center = jax.random.randint(k1, (B, 1), 0, VOC)
    outside = jax.random.randint(k2, (B, 1), 0, VOC)
    all_vocabs = jax.random.randint(k3, (B, VOC), 0, VOC)
    W_center = jax.random.normal(k4, (VOC, EMB), dtype=jnp.float32) * 0.02
    W_outside = jax.random.normal(k5, (VOC, EMB), dtype=jnp.float32) * 0.02
    return {
        "center": center,
        "outside": outside,
        "all_vocabs": all_vocabs,
        "W_center": W_center,
        "W_outside": W_outside,
    }


def reference(center, outside, all_vocabs, W_center, W_outside):
    # embedding lookups (gather)
    center_emb = jnp.take(W_center, center, axis=0)      # [B, 1, E]
    outside_emb = jnp.take(W_outside, outside, axis=0)   # [B, 1, E]
    all_emb = jnp.take(W_outside, all_vocabs, axis=0)    # [B, V, E]
    # top term: exp(u_o . v_c) per example  (bmm with q=k=1)
    top_term = jnp.exp(jnp.einsum("bqe,bke->bq", outside_emb, center_emb)).squeeze(1)  # [B]
    # lower term: sum_v exp(u_v . v_c)
    lower_term = jnp.einsum("bve,bke->bv", all_emb, center_emb)  # [B, V]
    lower_term_sum = jnp.sum(jnp.exp(lower_term), axis=1)        # [B]
    loss = -jnp.mean(jnp.log(top_term / lower_term_sum))
    return loss

if __name__ == "__main__":
    import jax
    _d = setup_inputs()
    print(jax.jit(kernel)(*tuple(_d.values())))

</pallas_src>

<mosaic_0001>
#map = affine_map<(d0, d1) -> (0)>
#map1 = affine_map<(d0, d1) -> (0, 0)>
module attributes {stable_mosaic.version = 14 : i64} {
  func.func @_sc_body(%arg0: i32, %arg1: i32, %arg2: memref<1024xi32, #tpu.memory_space<hbm>>, %arg3: memref<1024xi32, #tpu.memory_space<hbm>>, %arg4: memref<1024000xi32, #tpu.memory_space<hbm>>, %arg5: memref<1000x1024xf32, #tpu.memory_space<hbm>>, %arg6: memref<1024xf32, #tpu.memory_space<hbm>>, %arg7: memref<1024xf32, #tpu.memory_space<hbm>>, %arg8: memref<32xi32, #tpu.memory_space<vmem>>, %arg9: memref<32xi32, #tpu.memory_space<vmem>>, %arg10: memref<32000xi32, #tpu.memory_space<vmem>>, %arg11: memref<32x1024xf32, #tpu.memory_space<vmem>>, %arg12: memref<32xf32, #tpu.memory_space<vmem>>, %arg13: memref<32xf32, #tpu.memory_space<vmem>>, %arg14: memref<!tpu.dma_semaphore, #tpu.memory_space<semaphore_mem>>, %arg15: memref<!tpu.dma_semaphore, #tpu.memory_space<semaphore_mem>>) attributes {dimension_semantics = [#tpu.dimension_semantics<core_parallel>, #tpu.dimension_semantics<subcore_parallel>], iteration_bounds = array<i64: 2, 16>, scalar_prefetch = 0 : i64, scratch_operands = 8 : i64, tpu.core_type = #tpu.core_type<sc_vector_subcore>, window_params = [{transform_indices = #map}, {transform_indices = #map}, {transform_indices = #map}, {transform_indices = #map1}, {transform_indices = #map}, {transform_indices = #map}]} {
    %mul3A = arith.constant 2 : i32
    %mul3A_0 = arith.muli %arg1, %mul3A : i32
    %add3A = arith.addi %mul3A_0, %arg0 : i32
    %mul3A_1 = arith.constant 32 : i32
    %mul3A_2 = arith.muli %add3A, %mul3A_1 : i32
    "tpu.region"() ({
      %run_scoped3A = tpu.sem_alloc : memref<!tpu.dma_semaphore, #tpu.memory_space<semaphore_mem>>
      %dma_start3A_47 = tpu.memref_slice %arg2[%mul3A_2] : memref<1024xi32, #tpu.memory_space<hbm>> -> memref<32xi32, #tpu.memory_space<hbm>>
      %dma_start3A_48 = tpu.memref_slice %arg2[%mul3A_2] : memref<1024xi32, #tpu.memory_space<hbm>> -> memref<32xi32, #tpu.memory_space<hbm>>
      tpu.enqueue_dma source(%dma_start3A_48 : memref<32xi32, #tpu.memory_space<hbm>>) target(%arg8 : memref<32xi32, #tpu.memory_space<vmem>>) target_semaphore(%run_scoped3A : memref<!tpu.dma_semaphore, #tpu.memory_space<semaphore_mem>>)
      %dma_wait3A_49 = tpu.memref_slice %arg2[%mul3A_2] : memref<1024xi32, #tpu.memory_space<hbm>> -> memref<32xi32, #tpu.memory_space<hbm>>
      %dma_wait3A_50 = tpu.memref_slice %arg2[%mul3A_2] : memref<1024xi32, #tpu.memory_space<hbm>> -> memref<32xi32, #tpu.memory_space<hbm>>
      tpu.wait_dma2 semaphore(%run_scoped3A : memref<!tpu.dma_semaphore, #tpu.memory_space<semaphore_mem>>) src(%dma_wait3A_50 : memref<32xi32, #tpu.memory_space<hbm>>) dst(%arg8 : memref<32xi32, #tpu.memory_space<vmem>>)
      tpu.yield
    }) : () -> ()
    "tpu.region"() ({
      %run_scoped3A = tpu.sem_alloc : memref<!tpu.dma_semaphore, #tpu.memory_space<semaphore_mem>>
      %dma_start3A_47 = tpu.memref_slice %arg3[%mul3A_2] : memref<1024xi32, #tpu.memory_space<hbm>> -> memref<32xi32, #tpu.memory_space<hbm>>
      %dma_start3A_48 = tpu.memref_slice %arg3[%mul3A_2] : memref<1024xi32, #tpu.memory_space<hbm>> -> memref<32xi32, #tpu.memory_space<hbm>>
      tpu.enqueue_dma source(%dma_start3A_48 : memref<32xi32, #tpu.memory_space<hbm>>) target(%arg9 : memref<32xi32, #tpu.memory_space<vmem>>) target_semaphore(%run_scoped3A : memref<!tpu.dma_semaphore, #tpu.memory_space<semaphore_mem>>)
      %dma_wait3A_49 = tpu.memref_slice %arg3[%mul3A_2] : memref<1024xi32, #tpu.memory_space<hbm>> -> memref<32xi32, #tpu.memory_space<hbm>>
      %dma_wait3A_50 = tpu.memref_slice %arg3[%mul3A_2] : memref<1024xi32, #tpu.memory_space<hbm>> -> memref<32xi32, #tpu.memory_space<hbm>>
      tpu.wait_dma2 semaphore(%run_scoped3A : memref<!tpu.dma_semaphore, #tpu.memory_space<semaphore_mem>>) src(%dma_wait3A_50 : memref<32xi32, #tpu.memory_space<hbm>>) dst(%arg9 : memref<32xi32, #tpu.memory_space<vmem>>)
      tpu.yield
    }) : () -> ()
    %mul3A_3 = arith.constant 1000 : i32
    %mul3A_4 = arith.muli %mul3A_2, %mul3A_3 : i32
    %dma_start3A = tpu.memref_slice %arg4[%mul3A_4] : memref<1024000xi32, #tpu.memory_space<hbm>> -> memref<32000xi32, #tpu.memory_space<hbm>>
    %dma_start3A_5 = tpu.memref_slice %arg4[%mul3A_4] : memref<1024000xi32, #tpu.memory_space<hbm>> -> memref<32000xi32, #tpu.memory_space<hbm>>
    tpu.enqueue_dma source(%dma_start3A_5 : memref<32000xi32, #tpu.memory_space<hbm>>) target(%arg10 : memref<32000xi32, #tpu.memory_space<vmem>>) target_semaphore(%arg15 : memref<!tpu.dma_semaphore, #tpu.memory_space<semaphore_mem>>)
    %dma_start3A_6 = arith.constant 0 : i32
    %dma_start3A_7 = arith.constant 0 : i32
    %dma_start3A_8 = tpu.memref_slice %arg5[%dma_start3A_6, %dma_start3A_7] : memref<1000x1024xf32, #tpu.memory_space<hbm>> -> memref<1000x1024xf32, #tpu.memory_space<hbm>>
    tpu.enqueue_indirect_dma source(%dma_start3A_8 : memref<1000x1024xf32, #tpu.memory_space<hbm>>) target(%arg11 : memref<32x1024xf32, #tpu.memory_space<vmem>>) offsets(%arg8 : memref<32xi32, #tpu.memory_space<vmem>>) semaphore(%arg14 : memref<!tpu.dma_semaphore, #tpu.memory_space<semaphore_mem>>)
    %dma_wait3A = tpu.memref_slice %arg4[%mul3A_4] : memref<1024000xi32, #tpu.memory_space<hbm>> -> memref<32000xi32, #tpu.memory_space<hbm>>
    %dma_wait3A_9 = tpu.memref_slice %arg4[%mul3A_4] : memref<1024000xi32, #tpu.memory_space<hbm>> -> memref<32000xi32, #tpu.memory_space<hbm>>
    tpu.wait_dma2 semaphore(%arg15 : memref<!tpu.dma_semaphore, #tpu.memory_space<semaphore_mem>>) src(%dma_wait3A_9 : memref<32000xi32, #tpu.memory_space<hbm>>) dst(%arg10 : memref<32000xi32, #tpu.memory_space<vmem>>)
    %dma_wait3A_10 = arith.constant 0 : i32
    %dma_wait3A_11 = arith.constant 0 : i32
    %dma_wait3A_12 = tpu.memref_slice %arg5[%dma_wait3A_10, %dma_wait3A_11] : memref<1000x1024xf32, #tpu.memory_space<hbm>> -> memref<1000x1024xf32, #tpu.memory_space<hbm>>
    tpu.wait_indirect_dma semaphore(%arg14 : memref<!tpu.dma_semaphore, #tpu.memory_space<semaphore_mem>>) src(%dma_wait3A_12 : memref<1000x1024xf32, #tpu.memory_space<hbm>>) dst(%arg11 : memref<32x1024xf32, #tpu.memory_space<vmem>>)
    %iota3A = tpu.iota {dimensions = array<i32: 0>} : vector<16xi32>
    %add3A_13 = arith.constant 0 : i32
    %add3A_14 = vector.broadcast %add3A_13 : i32 to vector<16xi32>
    %add3A_15 = arith.addi %add3A_14, %iota3A : vector<16xi32>
    %mul3A_16 = arith.constant 1000 : i32
    %mul3A_17 = vector.broadcast %mul3A_16 : i32 to vector<16xi32>
    %mul3A_18 = arith.muli %add3A_15, %mul3A_17 : vector<16xi32>
    %broadcast_in_dim3A = arith.constant 0.000000e+00 : f32
    %broadcast_in_dim3A_19 = vector.broadcast %broadcast_in_dim3A : f32 to vector<16xf32>
    %parallel_loop3A = arith.constant 0 : i32
    %parallel_loop3A_20 = arith.constant 1000 : i32
    %parallel_loop3A_21 = arith.constant 1 : i32
    %parallel_loop3A_22 = scf.for %parallel_loop3A_47 = %parallel_loop3A to %parallel_loop3A_20 step %parallel_loop3A_21 iter_args(%parallel_loop3A_48 = %broadcast_in_dim3A_19) -> (vector<16xf32>)  : i32 {
      %parallel_loop3A_49 = vector.broadcast %parallel_loop3A_47 : i32 to vector<16xi32>
      %parallel_loop3A_50 = arith.addi %mul3A_18, %parallel_loop3A_49 : vector<16xi32>
      %parallel_loop3A_51 = tpu.vector_load_idx %arg10[%parallel_loop3A_50] : memref<32000xi32, #tpu.memory_space<vmem>>[vector<16xi32>], vector<16xi32>,
      %parallel_loop3A_52 = tpu.vector_load_idx %arg11[%add3A_15, %parallel_loop3A_51] : memref<32x1024xf32, #tpu.memory_space<vmem>>[vector<16xi32>, vector<16xi32>], vector<16xf32>,
      %parallel_loop3A_53 = arith.addf %parallel_loop3A_48, %parallel_loop3A_52 : vector<16xf32>
      scf.yield %parallel_loop3A_53 : vector<16xf32>
    } {sc.loop_unroll_factor = 8 : i64, sc.parallel_access}
    %swap3A = arith.constant 0 : index
    %swap3A_23 = tpu.vector_load %arg12[%swap3A] {strides = array<i32>} : memref<32xf32, #tpu.memory_space<vmem>>, vector<16xf32>,
    tpu.vector_store %arg12[%swap3A], %parallel_loop3A_22 {strides = array<i32>} : memref<32xf32, #tpu.memory_space<vmem>>, vector<16xf32>,
    %get3A = arith.constant 0 : index
    %get3A_24 = tpu.vector_load %arg9[%get3A] {strides = array<i32>} : memref<32xi32, #tpu.memory_space<vmem>>, vector<16xi32>,
    %gather3A = tpu.vector_load_idx %arg11[%add3A_15, %get3A_24] : memref<32x1024xf32, #tpu.memory_space<vmem>>[vector<16xi32>, vector<16xi32>], vector<16xf32>,
    %swap3A_25 = arith.constant 0 : index
    %swap3A_26 = tpu.vector_load %arg13[%swap3A_25] {strides = array<i32>} : memref<32xf32, #tpu.memory_space<vmem>>, vector<16xf32>,
    tpu.vector_store %arg13[%swap3A_25], %gather3A {strides = array<i32>} : memref<32xf32, #tpu.memory_space<vmem>>, vector<16xf32>,
    %iota3A_27 = tpu.iota {dimensions = array<i32: 0>} : vector<16xi32>
    %add3A_28 = arith.constant 16 : i32
    %add3A_29 = vector.broadcast %add3A_28 : i32 to vector<16xi32>
    %add3A_30 = arith.addi %add3A_29, %iota3A_27 : vector<16xi32>
    %mul3A_31 = arith.constant 1000 : i32
    %mul3A_32 = vector.broadcast %mul3A_31 : i32 to vector<16xi32>
    %mul3A_33 = arith.muli %add3A_30, %mul3A_32 : vector<16xi32>
    %broadcast_in_dim3A_34 = arith.constant 0.000000e+00 : f32
    %broadcast_in_dim3A_35 = vector.broadcast %broadcast_in_dim3A_34 : f32 to vector<16xf32>
    %parallel_loop3A_36 = arith.constant 0 : i32
    %parallel_loop3A_37 = arith.constant 1000 : i32
    %parallel_loop3A_38 = arith.constant 1 : i32
    %parallel_loop3A_39 = scf.for %parallel_loop3A_47 = %parallel_loop3A_36 to %parallel_loop3A_37 step %parallel_loop3A_38 iter_args(%parallel_loop3A_48 = %broadcast_in_dim3A_35) -> (vector<16xf32>)  : i32 {
      %parallel_loop3A_49 = vector.broadcast %parallel_loop3A_47 : i32 to vector<16xi32>
      %parallel_loop3A_50 = arith.addi %mul3A_33, %parallel_loop3A_49 : vector<16xi32>
      %parallel_loop3A_51 = tpu.vector_load_idx %arg10[%parallel_loop3A_50] : memref<32000xi32, #tpu.memory_space<vmem>>[vector<16xi32>], vector<16xi32>,
      %parallel_loop3A_52 = tpu.vector_load_idx %arg11[%add3A_30, %parallel_loop3A_51] : memref<32x1024xf32, #tpu.memory_space<vmem>>[vector<16xi32>, vector<16xi32>], vector<16xf32>,
      %parallel_loop3A_53 = arith.addf %parallel_loop3A_48, %parallel_loop3A_52 : vector<16xf32>
      scf.yield %parallel_loop3A_53 : vector<16xf32>
    } {sc.loop_unroll_factor = 8 : i64, sc.parallel_access}
    %swap3A_40 = arith.constant 16 : index
    %swap3A_41 = tpu.vector_load %arg12[%swap3A_40] {strides = array<i32>} : memref<32xf32, #tpu.memory_space<vmem>>, vector<16xf32>,
    tpu.vector_store %arg12[%swap3A_40], %parallel_loop3A_39 {strides = array<i32>} : memref<32xf32, #tpu.memory_space<vmem>>, vector<16xf32>,
    %get3A_42 = arith.constant 16 : index
    %get3A_43 = tpu.vector_load %arg9[%get3A_42] {strides = array<i32>} : memref<32xi32, #tpu.memory_space<vmem>>, vector<16xi32>,
    %gather3A_44 = tpu.vector_load_idx %arg11[%add3A_30, %get3A_43] : memref<32x1024xf32, #tpu.memory_space<vmem>>[vector<16xi32>, vector<16xi32>], vector<16xf32>,
    %swap3A_45 = arith.constant 16 : index
    %swap3A_46 = tpu.vector_load %arg13[%swap3A_45] {strides = array<i32>} : memref<32xf32, #tpu.memory_space<vmem>>, vector<16xf32>,
    tpu.vector_store %arg13[%swap3A_45], %gather3A_44 {strides = array<i32>} : memref<32xf32, #tpu.memory_space<vmem>>, vector<16xf32>,
    "tpu.region"() ({
      %run_scoped3A = tpu.sem_alloc : memref<!tpu.dma_semaphore, #tpu.memory_space<semaphore_mem>>
      %dma_start3A_47 = tpu.memref_slice %arg6[%mul3A_2] : memref<1024xf32, #tpu.memory_space<hbm>> -> memref<32xf32, #tpu.memory_space<hbm>>
      %dma_start3A_48 = tpu.memref_slice %arg6[%mul3A_2] : memref<1024xf32, #tpu.memory_space<hbm>> -> memref<32xf32, #tpu.memory_space<hbm>>
      tpu.enqueue_dma source(%arg12 : memref<32xf32, #tpu.memory_space<vmem>>) target(%dma_start3A_48 : memref<32xf32, #tpu.memory_space<hbm>>) target_semaphore(%run_scoped3A : memref<!tpu.dma_semaphore, #tpu.memory_space<semaphore_mem>>)
      %dma_wait3A_49 = tpu.memref_slice %arg6[%mul3A_2] : memref<1024xf32, #tpu.memory_space<hbm>> -> memref<32xf32, #tpu.memory_space<hbm>>
      %dma_wait3A_50 = tpu.memref_slice %arg6[%mul3A_2] : memref<1024xf32, #tpu.memory_space<hbm>> -> memref<32xf32, #tpu.memory_space<hbm>>
      tpu.wait_dma2 semaphore(%run_scoped3A : memref<!tpu.dma_semaphore, #tpu.memory_space<semaphore_mem>>) src(%arg12 : memref<32xf32, #tpu.memory_space<vmem>>) dst(%dma_wait3A_50 : memref<32xf32, #tpu.memory_space<hbm>>)
      tpu.yield
    }) : () -> ()
    "tpu.region"() ({
      %run_scoped3A = tpu.sem_alloc : memref<!tpu.dma_semaphore, #tpu.memory_space<semaphore_mem>>
      %dma_start3A_47 = tpu.memref_slice %arg7[%mul3A_2] : memref<1024xf32, #tpu.memory_space<hbm>> -> memref<32xf32, #tpu.memory_space<hbm>>
      %dma_start3A_48 = tpu.memref_slice %arg7[%mul3A_2] : memref<1024xf32, #tpu.memory_space<hbm>> -> memref<32xf32, #tpu.memory_space<hbm>>
      tpu.enqueue_dma source(%arg13 : memref<32xf32, #tpu.memory_space<vmem>>) target(%dma_start3A_48 : memref<32xf32, #tpu.memory_space<hbm>>) target_semaphore(%run_scoped3A : memref<!tpu.dma_semaphore, #tpu.memory_space<semaphore_mem>>)
      %dma_wait3A_49 = tpu.memref_slice %arg7[%mul3A_2] : memref<1024xf32, #tpu.memory_space<hbm>> -> memref<32xf32, #tpu.memory_space<hbm>>
      %dma_wait3A_50 = tpu.memref_slice %arg7[%mul3A_2] : memref<1024xf32, #tpu.memory_space<hbm>> -> memref<32xf32, #tpu.memory_space<hbm>>
      tpu.wait_dma2 semaphore(%run_scoped3A : memref<!tpu.dma_semaphore, #tpu.memory_space<semaphore_mem>>) src(%arg13 : memref<32xf32, #tpu.memory_space<vmem>>) dst(%dma_wait3A_50 : memref<32xf32, #tpu.memory_space<hbm>>)
      tpu.yield
    }) : () -> ()
    return
  }
}

module attributes {stable_mosaic.version = 14 : i64} {
  func.func @_expg_body(%arg0: memref<1000x64xf32, #tpu.memory_space<vmem>>, %arg1: memref<64x1024xf32, #tpu.memory_space<vmem>>, %arg2: memref<1000x1024xf32, #tpu.memory_space<vmem>>) attributes {dimension_semantics = [], scalar_prefetch = 0 : i64, scratch_operands = 0 : i64, tpu.core_type = #tpu.core_type<tc>} {
    %get3A = arith.constant 0 : index
    %get3A_0 = arith.constant 0 : index
    %get3A_1 = vector.load %arg0[%get3A, %get3A_0] : memref<1000x64xf32, #tpu.memory_space<vmem>>, vector<1000x64xf32>
    %get3A_2 = arith.constant 0 : index
    %get3A_3 = arith.constant 0 : index
    %get3A_4 = vector.load %arg1[%get3A_2, %get3A_3] : memref<64x1024xf32, #tpu.memory_space<vmem>>, vector<64x1024xf32>
    %dot_general3A = arith.constant dense<0.000000e+00> : vector<1000x1024xf32>
    %dot_general3A_5 = tpu.matmul %get3A_1, %get3A_4, %dot_general3A {dimension_numbers = #tpu.dot_dimension_numbers<[1], [0], [0], [1], [0, 0, 1, 1], [], []>, precision = #tpu.contract_precision<fp32>, transpose_lhs_hint = false} : vector<1000x64xf32>, vector<64x1024xf32>, vector<1000x1024xf32> -> vector<1000x1024xf32>
    %exp3A = math.exp %dot_general3A_5 : vector<1000x1024xf32>
    %swap3A = arith.constant 0 : index
    %swap3A_6 = arith.constant 0 : index
    %swap3A_7 = vector.load %arg2[%swap3A, %swap3A_6] : memref<1000x1024xf32, #tpu.memory_space<vmem>>, vector<1000x1024xf32>
    tpu.vector_store %arg2[%swap3A, %swap3A_6], %exp3A {strides = array<i32>} : memref<1000x1024xf32, #tpu.memory_space<vmem>>, vector<1000x1024xf32>,
    return
  }
}

module attributes {stable_mosaic.version = 14 : i64} {
  func.func @_loss_body(%arg0: memref<8x128xf32, #tpu.memory_space<vmem>>, %arg1: memref<8x128xf32, #tpu.memory_space<vmem>>, %arg2: memref<1x1xf32, #tpu.memory_space<smem>>) attributes {dimension_semantics = [], scalar_prefetch = 0 : i64, scratch_operands = 0 : i64, tpu.core_type = #tpu.core_type<tc>} {
    %get3A = arith.constant 0 : index
    %get3A_0 = arith.constant 0 : index
    %get3A_1 = vector.load %arg0[%get3A, %get3A_0] : memref<8x128xf32, #tpu.memory_space<vmem>>, vector<8x128xf32>
    %log3A = math.log %get3A_1 : vector<8x128xf32>
    %get3A_2 = arith.constant 0 : index
    %get3A_3 = arith.constant 0 : index
    %get3A_4 = vector.load %arg1[%get3A_2, %get3A_3] : memref<8x128xf32, #tpu.memory_space<vmem>>, vector<8x128xf32>
    %log3A_5 = math.log %get3A_4 : vector<8x128xf32>
    %sub3A = arith.subf %log3A, %log3A_5 : vector<8x128xf32>
    %reduce_sum3A = vector.shape_cast %sub3A : vector<8x128xf32> to vector<1x8x128xf32>
    %reduce_sum3A_6 = arith.constant dense<0.000000e+00> : vector<1xf32>
    %reduce_sum3A_7 = vector.multi_reduction <add>, %reduce_sum3A, %reduce_sum3A_6 [1, 2] : vector<1x8x128xf32> to vector<1xf32>
    %reduce_sum3A_8 = vector.shape_cast %reduce_sum3A_7 : vector<1xf32> to vector<1x1x1xf32>
    %reduce_sum3A_9 = vector.extract %reduce_sum3A_8[0, 0, 0] : f32 from vector<1x1x1xf32>
    %div3A = arith.constant 1.024000e+03 : f32
    %div3A_10 = arith.divf %reduce_sum3A_9, %div3A : f32
    %swap3A = arith.constant 0 : index
    %swap3A_11 = arith.constant 0 : index
    %swap3A_12 = memref.load %arg2[%swap3A, %swap3A_11] : memref<1x1xf32, #tpu.memory_space<smem>>
    memref.store %div3A_10, %arg2[%swap3A, %swap3A_11] : memref<1x1xf32, #tpu.memory_space<smem>>
    return
  }
}

</mosaic_0001>

<sc_bundles>
// kernel: kernel.5.cloned.1.call-start
scs
__scs_entry_jumppad:
0x0: {  	(pc) =	sbr.rel $0x88, $3  }
0x1: {  	(tag) =	ssettag $0x0;
	lr =	simm.s32 $0x1  }
0x2: {  	[smem:$0x3F9C] =	sst lr;
	_ =	strace $0xD0000000  }
0x3: {  	_ = 	snop  }
0x4: {  	_ = 	snop  }
0x5: {  	_ = 	snop  }
0x6: {  	_ = 	snop  }
0x7: {  	_ = 	snop  }
__scs_overlays_trampoline_lowered:
0x8: {  	[smem:$0x3FAB] =	sst s0  }
0x9: {  	[smem:$0x3FAC] =	sst s1  }
0xa: {  	[smem:$0x3FAD] =	sst s2  }
0xb: {  	[smem:$0x3FAE] =	sst s3  }
0xc: {  	[smem:$0x3FAF] =	sst s4  }
0xd: {  	[smem:$0x3FB0] =	sst s5  }
0xe: {  	[smem:$0x3FB1] =	sst s6  }
0xf: {  	[smem:$0x3FB2] =	sst s7  }
0x10: {  	[smem:$0x3FB3] =	sst s8  }
0x11: {  	[smem:$0x3FB4] =	sst s9;
	s0 =	simm.s32 @!p0 $0x0  }
0x12: {  	s1 =	sld [smem:$0x3F9A];
	s0 =	simm.s32 @p0 $0x1  }
0x13: {  	[smem:$0x3FB5] =	sst s0;
	s0 =	simm.s32 @!p1 $0x0  }
0x14: {  	s2 =	sld [smem:$0x3F99];
	s0 =	simm.s32 @p1 $0x1  }
0x15: {  	[smem:$0x3FB6] =	sst s0;
	s0 =	simm.s32 @!p2 $0x0  }
0x16: {  	s3 =	sld [smem:$0x3FDB];
	s0 =	simm.s32 @p2 $0x1  }
0x17: {  	s4 =	simm.s32 $0x1BF5;
	[smem:$0x3FB8] =	sst s0  }
0x18: {  	s0 =	sld [smem:$0x3F9B];
	_ =	swait.ge [sflag:s4], $0x0  }
0x19: {  	s7 =	sld [smem:$0x3F9C]  }
0x1a: {  	s8 =	sadd.s32 $0xFFFFE003, lr  }
0x1b: {  	s9 =	sadd.s32 $0xFFFFFEF7, lr;
	s5 =	simm.s32 $0xFFFFFFFF;
	p2 =	slt.u32 s8, $0xFFFFF086  }
0x1c: {  	p1 =	slt.u32 s9, $0xF7A;
	s5 =	simm.s32 @!p2 $0x0  }
0x1d: {  	s5 =	simm.s32 @p1 $0x1;
	p0 =	seq.s32 s7, s2  }
0x1e: {  	s7 =	smul.u32 @!p0 $0xF7A, s2;
	p2 =	seq.s32 @!p0 s5, $0x0  }
0x1f: {  	s9 =	smul.u32 $0xF7A, s1;
	s8 =	simm.s32 @!p0 $0x1BF5;
	p2 =	por !p2, p0  }
0x20: {  	[sflag:s8] =	ssyncset.s32 @!p0 $0xFFFFF086;
	s6 =	sadd.s32 @!p0 s3, s7;
	s7 =	simm.s32 @!p0 $0x108  }
0x21: {  	s3 =	sadd.s32 s3, s9;
	s6 =	sadd.s32 @!p0 $0x88, s6;
	s7 =	simm.s32 @p2 $0x1082  }
0x22: {  	[simem:s7], [sflag:s8] =	dma.local @!p0 [hbm:s6], $0xF7A  }
0x23: {  	s9 =	sor.u32 $0xD0000000, s2;
	s6 =	simm.s32 $0x108;
	_ =	swait.ge @!p0 [sflag:s8], $0x0  }
0x24: {  	s3 =	sadd.s32 $0x88, s3;
	s6 =	simm.s32 @!p1 $0x1082;
	[sflag:s4] =	ssyncset.s32 $0xFFFFF086  }
0x25: {  	[simem:s6], [sflag:s4] =	dma.local [hbm:s3], $0xF7A  }
0x26: {  	[smem:$0x3F9C] =	sst s1;
	(tag) =	ssettag s2;
	_ =	strace s9  }
0x27: {  	s1 =	sld [smem:$0x3FAC]  }
0x28: {  	s2 =	sld [smem:$0x3FAD]  }
0x29: {  	s4 =	sld [smem:$0x3FAF]  }
0x2a: {  	p0 =	seq.s32 s5, $0x0;
	s5 =	sld [smem:$0x3FB0]  }
0x2b: {  	s6 =	sld [smem:$0x3FB1]  }
0x2c: {  	s7 =	sld [smem:$0x3FB2]  }
0x2d: {  	s3 =	simm.s32 $0x108;
	s8 =	sld [smem:$0x3FB3]  }
0x2e: {  	s3 =	simm.s32 @!p0 $0x1082;
	s9 =	sld [smem:$0x3FB4]  }
0x2f: {  	lr =	sadd.s32 s0, s3;
	s0 =	sld [smem:$0x3FAB]  }
0x30: {  	s3 =	sld [smem:$0x3FAE]  }
0x31: {  	[smem:$0x3FB7] =	sst s10  }
0x32: {  	s10 =	sld [smem:$0x3FB5];
	_ =	sdelay $0x3  }
0x33: {  	p0 =	seq.s32 s10, $0x1;
	s10 =	sld [smem:$0x3FB7];
	_ =	sdelay $0x3  }
0x34: {  	[smem:$0x3FB7] =	sst s10  }
0x35: {  	s10 =	sld [smem:$0x3FB6];
	_ =	sdelay $0x3  }
0x36: {  	p1 =	seq.s32 s10, $0x1;
	s10 =	sld [smem:$0x3FB7];
	_ =	sdelay $0x3  }
0x37: {  	[smem:$0x3FB7] =	sst s10  }
0x38: {  	s10 =	sld [smem:$0x3FB8]  }
0x39: {  	_ = 	snop;
	(pc) =	sbr.ind lr, $3  }
0x3a: {  	_ = 	snop  }
0x3b: {  	_ = 	snop  }
0x3c: {  	p2 =	seq.s32 s10, $0x1;
	s10 =	sld [smem:$0x3FB7]  }
0x3d: {  	_ =	shalt  }
0x3e: {  	_ =	shalt  }
0x3f: {  	_ =	shalt  }
0x40: {  	_ =	shalt  }
0x41: {  	_ =	shalt  }
0x42: {  	_ =	shalt  }
0x43: {  	_ =	shalt  }
0x44: {  	_ =	shalt  }
0x45: {  	_ =	shalt  }
0x46: {  	_ =	shalt  }
0x47: {  	_ =	shalt  }
0x48: {  	_ =	shalt  }
0x49: {  	_ =	shalt  }
0x4a: {  	_ =	shalt  }
0x4b: {  	_ =	shalt  }
0x4c: {  	_ =	shalt  }
0x4d: {  	_ =	shalt  }
0x4e: {  	_ =	shalt  }
0x4f: {  	_ =	shalt  }
0x50: {  	_ =	shalt  }
0x51: {  	_ =	shalt  }
0x52: {  	_ =	shalt  }
0x53: {  	_ =	shalt  }
0x54: {  	_ =	shalt  }
0x55: {  	_ =	shalt  }
0x56: {  	_ =	shalt  }
0x57: {  	_ =	shalt  }
0x58: {  	_ =	shalt  }
0x59: {  	_ =	shalt  }
0x5a: {  	_ =	shalt  }
0x5b: {  	_ =	shalt  }
0x5c: {  	_ =	shalt  }
0x5d: {  	_ =	shalt  }
0x5e: {  	_ =	shalt  }
0x5f: {  	_ =	shalt  }
0x60: {  	_ =	shalt  }
0x61: {  	_ =	shalt  }
0x62: {  	_ =	shalt  }
0x63: {  	_ =	shalt  }
0x64: {  	_ =	shalt  }
0x65: {  	_ =	shalt  }
0x66: {  	_ =	shalt  }
0x67: {  	_ =	shalt  }
0x68: {  	_ =	shalt  }
0x69: {  	_ =	shalt  }
0x6a: {  	_ =	shalt  }
0x6b: {  	_ =	shalt  }
0x6c: {  	_ =	shalt  }
0x6d: {  	_ =	shalt  }
0x6e: {  	_ =	shalt  }
0x6f: {  	_ =	shalt  }
0x70: {  	_ =	shalt  }
0x71: {  	_ =	shalt  }
0x72: {  	_ =	shalt  }
0x73: {  	_ =	shalt  }
0x74: {  	_ =	shalt  }
0x75: {  	_ =	shalt  }
0x76: {  	_ =	shalt  }
0x77: {  	_ =	shalt  }
0x78: {  	_ =	shalt  }
0x79: {  	_ =	shalt  }
0x7a: {  	_ =	shalt  }
0x7b: {  	_ =	shalt  }
0x7c: {  	_ =	shalt  }
0x7d: {  	_ =	shalt  }
0x7e: {  	_ =	shalt  }
0x7f: {  	_ =	shalt  }
0x80: {  	_ =	shalt  }
0x81: {  	_ =	shalt  }
0x82: {  	_ =	shalt  }
0x83: {  	_ =	shalt  }
0x84: {  	_ =	shalt  }
0x85: {  	_ =	shalt  }
0x86: {  	_ =	shalt  }
0x87: {  	_ =	shalt  }
.Lfunc_end0:
.L_simem_size_0:
called_computation_lowered:
.L_overlay_start_0:
0x88: {  	s2 =	sld [smem:$0x3FD9]  }
0x89: {  	s3 =	sld [smem:$0x3FFE];
	_ =	sdelay $0x1  }
0x8a: {  	s1 =	srdreg.scid  }
0x8b: {  	s0 =	sand.u32 $0x1, s1  }
0x8c: {  	s17 =	sshll.u32 s0, $0xA;
	s2 =	sadd.s32 s3, s2  }
0x8d: {  	s2 =	sadd.s32 s2, s17  }
0x8e: {  	[smem:$0x3FC3] =	sst s2  }
0x8f: {  	_ = 	snop  }
0x90: {  	s2 =	sld [smem:$0x3FC9]  }
0x91: {  	s18 =	sld [smem:$0x3FC8];
	(tm) =	ssettm $0x1  }
0x92: {  	s4 =	sld [smem:$0x3FFB];
	_ =	sdelay $0x3  }
0x93: {  	_ =	strace s4  }
0x94: {  	s4 =	sld [smem:$0x3FFC];
	_ =	sdelay $0x3  }
0x95: {  	_ =	strace s4  }
0x96: {  	s4 =	sld [smem:$0x3FFD];
	_ =	sdelay $0x3  }
0x97: {  	_ =	strace s4  }
0x98: {  	_ =	strace $0x8FFFFFFF  }
0x99: {  	s19 =	sld [smem:$0x3FDB];
	_ =	sdelay $0x1  }
0x9a: {  	s5 =	simm.s32 $_scs_section_size  }
0x9b: {  	s6 =	simm.s32 $_size__tile_overlayer_lowered;
	s7 =	simm.s32 $_tile_overlayer_lowered  }
0x9c: {  	s22 =	simm.s32 $0x1BFF;
	s21 =	sshll.u32 s7, $0x1;
	s4 =	sadd.s32 s5, s19  }
0x9d: {  	s8 =	simm.s32 $0x0;
	s20 =	sshll.u32 s6, $0x1;
	s6 =	sadd.s32 s21, s4  }
0x9e: {  	[timem:s8], [sflag:s22] =	dma.local [hbm:s6], s20  }
0x9f: {  	_ =	swait.ge [sflag:s22], s20  }
0xa0: {  	s5 =	ssub.s32 $0x0, s20;
	[sflag:s22] =	ssyncset.done $0x0  }
0xa1: {  	[sflag:s22] =	ssyncadd.s32 s5;
	_ =	sdelay $0x1  }
0xa2: {  	s23 =	simm.s32 $0x1B8B  }
0xa3: {  	_ =	swait.ge [sflag:s23], $0x1  }
0xa4: {  	[sflag:s23] =	ssyncset.done $0x0  }
0xa5: {  	s25 =	simm.s32 $0x1B8E;
	s24 =	sld [smem:$0x3FFE];
	[sflag:s23] =	ssyncadd.s32 $0xFFFFFFFF  }
0xa6: {  	s26 =	simm.s32 $execute0_lowered;
	[smem:$0x3FD2] =	sst s25  }
0xa7: {  	s6 =	sshll.u32 s26, $0x1;
	_ =	strace $0x80000046;
	[dreg:$0x1] =	wrdreg $0xFFFFFFFF  }
0xa8: {  	s28 =	simm.s32 $_size_execute0_lowered;
	s4 =	sadd.s32 s4, s6;
	[dreg:$0x0] =	wrdreg $0x0  }
0xa9: {  	s6 =	sshll.u32 s28, $0x1;
	[dreg:$0x2] =	wrdreg s4  }
0xaa: {  	[dreg:$0x3] =	wrdreg s6  }
0xab: {  	[dreg:$0x4] =	wrdreg $0xC0  }
0xac: {  	_ =	task [dreg:s8], $0x5FFFF  }
0xad: {  	[dreg:$0x1] =	wrdreg $0xFFFFFFFF  }
0xae: {  	[dreg:$0x0] =	wrdreg $0x60  }
0xaf: {  	[dreg:$0x2] =	wrdreg s2  }
0xb0: {  	[dreg:$0x3] =	wrdreg s18  }
0xb1: {  	[dreg:$0x4] =	wrdreg s24  }
0xb2: {  	[dreg:$0x5] =	wrdreg $0x9  }
0xb3: {  	_ =	task.clear_ibuf [dreg:s8], $0x6FFFF;
	_ =	strace $0x90000046  }
0xb4: {  	s29 =	simm.s32 $0x9;
	_ =	strace $0x80000048  }
0xb5: {  	_ =	swait.ge [sflag:s29], $0x1  }
0xb6: {  	[sflag:s29] =	ssyncadd.s32 $0xFFFFFFFF  }
0xb7: {  	_ =	strace $0x90000048  }
0xb8: {  	_ =	sfence  }
0xb9: {  	s30 =	sld [smem:$0x0];
	_ =	sdelay $0x2  }
0xba: {  	s31 =	sshll.u32 s1, $0xD;
	s1 =	sshrl.u32 s1, $0x2  }
0xbb: {  	s3 =	sand.u32 $0x4000, s31;
	s1 =	sadd.s32 s1, s30  }
0xbc: {  	s0 =	sor.u32 s3, s0;
	s1 =	sshll.u32 s1, $0x11  }
0xbd: {  	s0 =	sor.u32 s1, s0  }
0xbe: {  	s0 =	sadd.s32 $0x8F2B, s0  }
0xbf: {  	[sflag:s0] =	ssyncadd.remote.s32 $0x1  }
0xc0: {  	_ =	sfence.sel $0xFFFF  }
0xc1: {  	[dreg:$0x0] =	wrdreg $0xFFFFFFFF;
	(pc) =	sbr.abs _section_cstart, $3  }
0xc2: {  	[dreg:$0x1] =	wrdreg $0xFFFFFFFF  }
0xc3: {  	_ =	task.clear_ibuf [dreg:s8], $0x2FFFF;
	_ =	strace $0x9FFFFFFF  }
0xc4: {  	(tm) =	ssettm $0x7FFFFFFF  }
0xc5: {  	_ =	shalt  }
tec
execute0_lowered:
.L_overlay_start_1:
0x0: {  	(tag) =	ssettag $0x1  }
0x1: {  	s4 =	rddreg [dreg:$0x0]  }
0x2: {  	s5 =	rddreg [dreg:$0x1];
	s1 =	srdreg.scid  }
0x3: {  	s0 =	stileid.u32;
	s6 =	rddreg [dreg:$0x2]  }
0x4: {  	s2 =	simm.s32 $0x0;
	s12 =	simm.s32 $0x40;
	s13 =	simm.s32 $0x7D40  }
0x5: {  	s14 =	simm.s32 $0x2;
	s15 =	simm.s32 $0x1;
	s16 =	simm.s32 $0xFD40  }
0x6: {  	s17 =	simm.s32 $0xFD60;
	s3 =	sand.u32 $0x1, s1;
	s1 =	rddreg [dreg:$0x3]  }
0x7: {  	s18 =	simm.s32 $0x0;
	s7 =	sshll.u32 s0, $0x1;
	[smem:$0x7FF] =	sst s2  }
0x8: {  	s7 =	sor.u32 s3, s7;
	_ =	strace $0x80000047;
	s9 =	ssub.s32 $0x2, s3  }
0x9: {  	s8 =	smul.u32 $0xFA0, s7;
	s7 =	sshll.u32 s7, $0x2;
	s10 =	sshrl.u32 s9, $0x1  }
0xa: {  	v1 =	vlaneseq.u32;
	s3 =	sadd.s32 $0x20400, s6;
	s11 =	sadd.s32 s7, s6;
	s9 =	ssub.s32 s9, s10  }
0xb: {  	v0 =	vmul.u32 $0x3E8, v1;
	v1 =	vmul.u32 $0x400, v1;
	s4 =	sadd.s32 s4, s7;
	s5 =	sadd.s32 s5, s7;
	s10 =	simm.s32 $0x3  }
0xc: {  	s8 =	sadd.s32 s8, s6;
	s7 =	sadd.s32 $0x3F800, s11;
	s9 =	smax.u32 s9, $0x1  }
0xd: {  	v2 =	vadd.s32 $0x3E80, v0;
	v3 =	vor.u32 $0x4000, v1;
	s6 =	sadd.s32 $0x1000, s8;
	s8 =	sadd.s32 $0x3FA00, s11;
	s11 =	simm.s32 $0x20  }
.LBB2_1:
0xe: {  	[tilespmem:s2], [sflag:$0x3] =	stream.linear.gather [hbm4b:s4+s2], $0x20, $0x38;
	[tilespmem:$0xFD80] =	vst v63  }
0xf: {  	_ =	swait.ge [sflag:s10], $0x20  }
0x10: {  	[sflag:s10] =	ssyncset.done $0x0  }
0x11: {  	[sflag:s10] =	ssyncadd.s32 $0xFFFFFFE0  }
0x12: {  	[tilespmem:s11], [sflag:$0x3] =	stream.linear.gather [hbm4b:s5+s2], $0x20, $0x38;
	[tilespmem:$0xFD80] =	vst v63  }
0x13: {  	_ =	swait.ge [sflag:s10], $0x20  }
0x14: {  	[sflag:s10] =	ssyncset.done $0x0  }
0x15: {  	[sflag:s10] =	ssyncadd.s32 $0xFFFFFFE0  }
0x16: {  	[tilespmem:s12], [sflag:$0x2] =	stream.linear.gather [hbm4b:s6+s2], $0x7D00, $0x38;
	[tilespmem:$0xFD80] =	vst v63  }
0x17: {  	_ = 	snop  }
0x18: {  	[tilespmem:s13], [sflag:$0x1] =	stream.indirect.gather [hbm4b:s3+s11], $0x400, s2, s11, $0xb8;
	[tilespmem:$0xFD80] =	vst v63  }
0x19: {  	_ =	swait.ge [sflag:s14], $0x7D00  }
0x1a: {  	v4 =	vadd.s32 s2, v0;
	[sflag:s14] =	ssyncset.done $0x0  }
0x1b: {  	s19 =	simm.s32 $0x1;
	[sflag:s14] =	ssyncadd.s32 $0xFFFF8300  }
0x1c: {  	v5 =	vadd.s32 s19, v0;
	_ =	swait.ge [sflag:s15], $0x8000  }
0x1d: {  	s30 =	simm.s32 $0x2;
	[sflag:s15] =	ssyncset.done $0x0  }
0x1e: {  	s31 =	simm.s32 $0x3;
	v6 =	vadd.s32 s30, v0;
	[sflag:s15] =	ssyncadd.s32 $0xFFFF8000  }
0x1f: {  	v7 =	vadd.s32 s31, v0;
	v4 =	vld.idx.msk [tilespmem:v4+s12+$0x0], $0xffff  }
0x20: {  	s20 =	simm.s32 $0x4  }
0x21: {  	s21 =	simm.s32 $0x5;
	v8 =	vadd.s32 s20, v0;
	v5 =	vld.idx.msk [tilespmem:v5+s12+$0x0], $0xffff  }
0x22: {  	s22 =	simm.s32 $0x6;
	v9 =	vadd.s32 s21, v0  }
0x23: {  	v10 =	vadd.s32 s22, v0;
	v6 =	vld.idx.msk [tilespmem:v6+s12+$0x0], $0xffff  }
0x24: {  	s23 =	simm.s32 $0x7;
	v7 =	vld.idx.msk [tilespmem:v7+s12+$0x0], $0xffff;
	v4 =	vadd.s32 v1, v4  }
0x25: {  	v11 =	vadd.s32 s23, v0  }
0x26: {  	s24 =	simm.s32 $0x8;
	v8 =	vld.idx.msk [tilespmem:v8+s12+$0x0], $0xffff;
	v5 =	vadd.s32 v1, v5  }
0x27: {  	v12 =	vadd.s32 s24, v0;
	v9 =	vld.idx.msk [tilespmem:v9+s12+$0x0], $0xffff  }
0x28: {  	v10 =	vld.idx.msk [tilespmem:v10+s12+$0x0], $0xffff;
	v6 =	vadd.s32 v1, v6  }
0x29: {  	s25 =	simm.s32 $0x9;
	v7 =	vadd.s32 v1, v7;
	v4 =	vld.idx.msk [tilespmem:v4+s13+$0x0], $0xffff  }
0x2a: {  	s26 =	simm.s32 $0xA;
	v13 =	vadd.s32 s25, v0;
	v11 =	vld.idx.msk [tilespmem:v11+s12+$0x0], $0xffff  }
0x2b: {  	v14 =	vadd.s32 s26, v0;
	v5 =	vld.idx.msk [tilespmem:v5+s13+$0x0], $0xffff  }
0x2c: {  	v12 =	vld.idx.msk [tilespmem:v12+s12+$0x0], $0xffff;
	v8 =	vadd.s32 v1, v8  }
0x2d: {  	v15 =	vimm.f32 $0.0e+00;
	s28 =	simm.s32 $0xB;
	v9 =	vadd.s32 v1, v9;
	v6 =	vld.idx.msk [tilespmem:v6+s13+$0x0], $0xffff  }
0x2e: {  	s29 =	simm.s32 $0xC;
	v16 =	vadd.s32 s28, v0;
	v7 =	vld.idx.msk [tilespmem:v7+s13+$0x0], $0xffff;
	v4 =	vadd.f32 v4, v15  }
0x2f: {  	v15 =	vld.idx.msk [tilespmem:v13+s12+$0x0], $0xffff;
	v13 =	vadd.s32 s29, v0  }
0x30: {  	v17 =	vld.idx.msk [tilespmem:v14+s12+$0x0], $0xffff;
	v10 =	vadd.s32 v1, v10;
	v4 =	vadd.f32 v5, v4  }
0x31: {  	s30 =	simm.s32 $0xD;
	v5 =	vld.idx.msk [tilespmem:v8+s13+$0x0], $0xffff;
	v8 =	vadd.s32 v1, v11  }
0x32: {  	v18 =	vld.idx.msk [tilespmem:v9+s13+$0x0], $0xffff;
	v11 =	vadd.s32 s30, v0;
	v4 =	vadd.f32 v6, v4  }
0x33: {  	s31 =	simm.s32 $0xE;
	v9 =	vadd.s32 v1, v12;
	v6 =	vld.idx.msk [tilespmem:v16+s12+$0x0], $0xffff  }
0x34: {  	v12 =	vadd.f32 v7, v4;
	v4 =	vld.idx.msk [tilespmem:v13+s12+$0x0], $0xffff;
	v13 =	vadd.s32 s31, v0  }
0x35: {  	s20 =	simm.s32 $0xF;
	v14 =	vadd.s32 v1, v15;
	v7 =	vld.idx.msk [tilespmem:v10+s13+$0x0], $0xffff  }
0x36: {  	v10 =	vadd.s32 s20, v0;
	v8 =	vld.idx.msk [tilespmem:v8+s13+$0x0], $0xffff;
	v16 =	vadd.f32 v5, v12  }
0x37: {  	s19 =	simm.s32 $0x10;
	v5 =	vld.idx.msk [tilespmem:v11+s12+$0x0], $0xffff;
	v11 =	vadd.s32 v1, v17  }
0x38: {  	v9 =	vld.idx.msk [tilespmem:v9+s13+$0x0], $0xffff;
	s20 =	simm.s32 $0x18;
	v12 =	vadd.s32 s19, v0;
	v15 =	vadd.f32 v18, v16  }
.LBB2_2:
0x39: {  	p0 =	slt.u32 s20, $0x3E0;
	s21 =	sadd.s32 $0x1, s19;
	v6 =	vadd.s32 v1, v6;
	v13 =	vld.idx.msk [tilespmem:v13+s12+$0x0], $0xffff  }
0x3a: {  	v16 =	vadd.s32 s21, v0;
	v14 =	vld.idx.msk [tilespmem:v14+s13+$0x0], $0xffff;
	v7 =	vadd.f32 v7, v15  }
0x3b: {  	s21 =	sadd.s32 $0x2, s19;
	v4 =	vadd.s32 v1, v4;
	v10 =	vld.idx.msk [tilespmem:v10+s12+$0x0], $0xffff  }
0x3c: {  	v15 =	vadd.s32 s21, v0;
	v11 =	vld.idx.msk [tilespmem:v11+s13+$0x0], $0xffff;
	v7 =	vadd.f32 v8, v7  }
0x3d: {  	s21 =	sadd.s32 $0x3, s19;
	v5 =	vadd.s32 v1, v5;
	v8 =	vld.idx.msk [tilespmem:v12+s12+$0x0], $0xffff  }
0x3e: {  	v12 =	vadd.s32 s21, v0;
	v7 =	vadd.f32 v9, v7;
	v9 =	vld.idx.msk [tilespmem:v6+s13+$0x0], $0xffff  }
0x3f: {  	s21 =	sadd.s32 $0x4, s19;
	v17 =	vadd.s32 v1, v13;
	v16 =	vld.idx.msk [tilespmem:v16+s12+$0x0], $0xffff  }
0x40: {  	v18 =	vadd.s32 s21, v0;
	v6 =	vadd.f32 v14, v7;
	v19 =	vld.idx.msk [tilespmem:v4+s13+$0x0], $0xffff  }
0x41: {  	s21 =	sadd.s32 $0x5, s19;
	v20 =	vadd.s32 v1, v10;
	v15 =	vld.idx.msk [tilespmem:v15+s12+$0x0], $0xffff  }
0x42: {  	v21 =	vadd.s32 s21, v0;
	v4 =	vadd.f32 v11, v6;
	v22 =	vld.idx.msk [tilespmem:v5+s13+$0x0], $0xffff  }
0x43: {  	s21 =	sadd.s32 $0x6, s19;
	v23 =	vadd.s32 v1, v8;
	v6 =	vld.idx.msk [tilespmem:v12+s12+$0x0], $0xffff  }
.Ltmp0:
0x44: {  	v13 =	vadd.s32 s21, v0;
	v5 =	vadd.f32 v9, v4;
	v7 =	vld.idx.msk [tilespmem:v17+s13+$0x0], $0xffff;
	(pc) =	sbr.rel @p0 .LBB2_2-.Ltmp0, $4  }
0x45: {  	s21 =	sadd.s32 $0x7, s19;
	s19 =	smov.u32 s20;
	v14 =	vadd.s32 v1, v16;
	v4 =	vld.idx.msk [tilespmem:v18+s12+$0x0], $0xffff  }
0x46: {  	v10 =	vadd.s32 s21, v0;
	v16 =	vadd.f32 v19, v5;
	v8 =	vld.idx.msk [tilespmem:v20+s13+$0x0], $0xffff  }
0x47: {  	v11 =	vadd.s32 v1, v15;
	v5 =	vld.idx.msk [tilespmem:v21+s12+$0x0], $0xffff  }
0x48: {  	s20 =	sadd.s32 $0x8, s20;
	v12 =	vadd.s32 s19, v0;
	v9 =	vld.idx.msk [tilespmem:v23+s13+$0x0], $0xffff;
	v15 =	vadd.f32 v22, v16  }
0x49: {  	_ =	sdelay $0x3  }
0x4a: {  	s20 =	sadd.s32 $0x1, s19;
	v6 =	vadd.s32 v1, v6;
	v13 =	vld.idx.msk [tilespmem:v13+s12+$0x0], $0xffff;
	v7 =	vadd.f32 v7, v15  }
0x4b: {  	v14 =	vld.idx.msk [tilespmem:v14+s13+$0x0], $0xffff;
	v15 =	vadd.s32 s20, v0  }
0x4c: {  	s31 =	sadd.s32 $0x2, s19;
	v10 =	vld.idx.msk [tilespmem:v10+s12+$0x0], $0xffff;
	v4 =	vadd.s32 v1, v4;
	v7 =	vadd.f32 v8, v7  }
0x4d: {  	v11 =	vld.idx.msk [tilespmem:v11+s13+$0x0], $0xffff;
	v8 =	vadd.s32 s31, v0  }
0x4e: {  	v12 =	vld.idx.msk [tilespmem:v12+s12+$0x0], $0xffff;
	s21 =	sadd.s32 $0x3, s19;
	v5 =	vadd.s32 v1, v5;
	v7 =	vadd.f32 v9, v7  }
0x4f: {  	v9 =	vadd.s32 s21, v0;
	v6 =	vld.idx.msk [tilespmem:v6+s13+$0x0], $0xffff  }
0x50: {  	v13 =	vadd.s32 v1, v13;
	v15 =	vld.idx.msk [tilespmem:v15+s12+$0x0], $0xffff;
	v7 =	vadd.f32 v14, v7  }
0x51: {  	s22 =	sadd.s32 $0x4, s19;
	v10 =	vadd.s32 v1, v10;
	v4 =	vld.idx.msk [tilespmem:v4+s13+$0x0], $0xffff  }
0x52: {  	s23 =	sadd.s32 $0x5, s19;
	v14 =	vadd.s32 s22, v0;
	v8 =	vld.idx.msk [tilespmem:v8+s12+$0x0], $0xffff;
	v7 =	vadd.f32 v11, v7  }
0x53: {  	v5 =	vld.idx.msk [tilespmem:v5+s13+$0x0], $0xffff;
	v11 =	vadd.s32 s23, v0  }
0x54: {  	s24 =	sadd.s32 $0x6, s19;
	v12 =	vadd.s32 v1, v12;
	v9 =	vld.idx.msk [tilespmem:v9+s12+$0x0], $0xffff;
	v6 =	vadd.f32 v6, v7  }
0x55: {  	v13 =	vld.idx.msk [tilespmem:v13+s13+$0x0], $0xffff;
	v7 =	vadd.s32 s24, v0  }
0x56: {  	s25 =	sadd.s32 $0x7, s19;
	v10 =	vld.idx.msk [tilespmem:v10+s13+$0x0], $0xffff;
	v15 =	vadd.s32 v1, v15;
	v4 =	vadd.f32 v4, v6  }
0x57: {  	v14 =	vld.idx.msk [tilespmem:v14+s12+$0x0], $0xffff;
	v6 =	vadd.s32 s25, v0  }
0x58: {  	v8 =	vadd.s32 v1, v8;
	v11 =	vld.idx.msk [tilespmem:v11+s12+$0x0], $0xffff;
	v4 =	vadd.f32 v5, v4  }
0x59: {  	v5 =	vld.idx.msk [tilespmem:v12+s13+$0x0], $0xffff  }
0x5a: {  	v9 =	vadd.s32 v1, v9;
	v7 =	vld.idx.msk [tilespmem:v7+s12+$0x0], $0xffff;
	v4 =	vadd.f32 v13, v4  }
0x5b: {  	v12 =	vld.idx.msk [tilespmem:v15+s13+$0x0], $0xffff  }
0x5c: {  	v13 =	vadd.s32 v1, v14;
	v6 =	vld.idx.msk [tilespmem:v6+s12+$0x0], $0xffff;
	v4 =	vadd.f32 v10, v4  }
0x5d: {  	v8 =	vld.idx.msk [tilespmem:v8+s13+$0x0], $0xffff  }
0x5e: {  	v10 =	vadd.s32 v1, v11;
	v4 =	vadd.f32 v5, v4  }
0x5f: {  	v5 =	vld.idx.msk [tilespmem:v9+s13+$0x0], $0xffff;
	v7 =	vadd.s32 v1, v7  }
0x60: {  	v4 =	vadd.f32 v12, v4  }
0x61: {  	v9 =	vld.idx.msk [tilespmem:v13+s13+$0x0], $0xffff  }
0x62: {  	v6 =	vadd.s32 v1, v6;
	v4 =	vadd.f32 v8, v4  }
0x63: {  	v8 =	vld.idx.msk [tilespmem:v10+s13+$0x0], $0xffff  }
0x64: {  	v4 =	vadd.f32 v5, v4;
	v5 =	vld.idx.msk [tilespmem:v7+s13+$0x0], $0xffff  }
0x65: {  	v7 =	vld [tilespmem:$0x20]  }
0x66: {  	v4 =	vadd.f32 v9, v4  }
0x67: {  	v6 =	vld.idx.msk [tilespmem:v6+s13+$0x0], $0xffff  }
0x68: {  	v4 =	vadd.f32 v8, v4;
	_ =	sdelay $0x1  }
0x69: {  	v4 =	vadd.f32 v5, v4;
	v5 =	vadd.s32 v1, v7;
	_ =	sdelay $0x1  }
0x6a: {  	v4 =	vadd.f32 v6, v4;
	_ =	sdelay $0x1  }
0x6b: {  	[tilespmem:$0xFD40] =	vst v4  }
0x6c: {  	s26 =	simm.s32 $0x0;
	v4 =	vld.idx.msk [tilespmem:v5+s13+$0x0], $0xffff  }
0x6d: {  	v5 =	vadd.s32 s26, v2  }
0x6e: {  	s28 =	simm.s32 $0x1  }
0x6f: {  	v6 =	vadd.s32 s28, v2  }
0x70: {  	s29 =	simm.s32 $0x2  }
0x71: {  	s30 =	simm.s32 $0x3;
	[tilespmem:$0xFD60] =	vst v4;
	v4 =	vadd.s32 s29, v2  }
0x72: {  	v7 =	vadd.s32 s30, v2;
	v5 =	vld.idx.msk [tilespmem:v5+s12+$0x0], $0xffff  }
0x73: {  	s31 =	simm.s32 $0x4  }
0x74: {  	s20 =	simm.s32 $0x5;
	v8 =	vadd.s32 s31, v2;
	v6 =	vld.idx.msk [tilespmem:v6+s12+$0x0], $0xffff  }
0x75: {  	s21 =	simm.s32 $0x6;
	v9 =	vadd.s32 s20, v2  }
0x76: {  	v10 =	vadd.s32 s21, v2;
	v4 =	vld.idx.msk [tilespmem:v4+s12+$0x0], $0xffff  }
0x77: {  	s22 =	simm.s32 $0x7;
	v7 =	vld.idx.msk [tilespmem:v7+s12+$0x0], $0xffff;
	v5 =	vadd.s32 v3, v5  }
0x78: {  	v11 =	vadd.s32 s22, v2  }
0x79: {  	s23 =	simm.s32 $0x8;
	v8 =	vld.idx.msk [tilespmem:v8+s12+$0x0], $0xffff;
	v6 =	vadd.s32 v3, v6  }
0x7a: {  	v12 =	vadd.s32 s23, v2;
	v9 =	vld.idx.msk [tilespmem:v9+s12+$0x0], $0xffff  }
0x7b: {  	v10 =	vld.idx.msk [tilespmem:v10+s12+$0x0], $0xffff;
	v4 =	vadd.s32 v3, v4  }
0x7c: {  	s24 =	simm.s32 $0x9;
	v7 =	vadd.s32 v3, v7;
	v5 =	vld.idx.msk [tilespmem:v5+s13+$0x0], $0xffff  }
0x7d: {  	v13 =	vadd.s32 s24, v2;
	v11 =	vld.idx.msk [tilespmem:v11+s12+$0x0], $0xffff  }
0x7e: {  	v8 =	vadd.s32 v3, v8;
	v6 =	vld.idx.msk [tilespmem:v6+s13+$0x0], $0xffff  }
0x7f: {  	s25 =	simm.s32 $0xA;
	v12 =	vld.idx.msk [tilespmem:v12+s12+$0x0], $0xffff;
	v9 =	vadd.s32 v3, v9  }
0x80: {  	v15 =	vimm.f32 $0.0e+00;
	v14 =	vadd.s32 s25, v2;
	s26 =	simm.s32 $0xB;
	v4 =	vld.idx.msk [tilespmem:v4+s13+$0x0], $0xffff  }
0x81: {  	s28 =	simm.s32 $0xC;
	v16 =	vadd.s32 s26, v2;
	v7 =	vld.idx.msk [tilespmem:v7+s13+$0x0], $0xffff;
	v5 =	vadd.f32 v5, v15  }
0x82: {  	v15 =	vld.idx.msk [tilespmem:v13+s12+$0x0], $0xffff;
	v13 =	vadd.s32 s28, v2  }
0x83: {  	v10 =	vadd.s32 v3, v10;
	v8 =	vld.idx.msk [tilespmem:v8+s13+$0x0], $0xffff;
	v5 =	vadd.f32 v6, v5  }
0x84: {  	v19 =	vld.idx.msk [tilespmem:v9+s13+$0x0], $0xffff;
	v9 =	vadd.s32 v3, v12  }
0x85: {  	s29 =	simm.s32 $0xD;
	v17 =	vld.idx.msk [tilespmem:v14+s12+$0x0], $0xffff;
	v11 =	vadd.s32 v3, v11;
	v4 =	vadd.f32 v4, v5  }
0x86: {  	s30 =	simm.s32 $0xE;
	v18 =	vadd.s32 s29, v2;
	v6 =	vld.idx.msk [tilespmem:v16+s12+$0x0], $0xffff  }
0x87: {  	v5 =	vadd.f32 v7, v4;
	v4 =	vld.idx.msk [tilespmem:v13+s12+$0x0], $0xffff;
	v13 =	vadd.s32 s30, v2  }
0x88: {  	s31 =	simm.s32 $0xF;
	v14 =	vadd.s32 v3, v15;
	v7 =	vld.idx.msk [tilespmem:v10+s13+$0x0], $0xffff  }
0x89: {  	v9 =	vld.idx.msk [tilespmem:v9+s13+$0x0], $0xffff;
	v10 =	vadd.s32 s31, v2;
	v16 =	vadd.f32 v8, v5  }
0x8a: {  	s19 =	simm.s32 $0x10;
	v8 =	vld.idx.msk [tilespmem:v11+s13+$0x0], $0xffff;
	v11 =	vadd.s32 v3, v17  }
0x8b: {  	s20 =	simm.s32 $0x18;
	v12 =	vadd.s32 s19, v2;
	v5 =	vld.idx.msk [tilespmem:v18+s12+$0x0], $0xffff;
	v15 =	vadd.f32 v19, v16  }
.LBB2_4:
0x8c: {  	p0 =	slt.u32 s20, $0x3E0;
	s21 =	sadd.s32 $0x1, s19;
	v6 =	vadd.s32 v3, v6;
	v13 =	vld.idx.msk [tilespmem:v13+s12+$0x0], $0xffff  }
0x8d: {  	v16 =	vadd.s32 s21, v2;
	v14 =	vld.idx.msk [tilespmem:v14+s13+$0x0], $0xffff;
	v7 =	vadd.f32 v7, v15  }
0x8e: {  	s21 =	sadd.s32 $0x2, s19;
	v4 =	vadd.s32 v3, v4;
	v10 =	vld.idx.msk [tilespmem:v10+s12+$0x0], $0xffff  }
0x8f: {  	v15 =	vadd.s32 s21, v2;
	v11 =	vld.idx.msk [tilespmem:v11+s13+$0x0], $0xffff;
	v7 =	vadd.f32 v8, v7  }
0x90: {  	s21 =	sadd.s32 $0x3, s19;
	v5 =	vadd.s32 v3, v5;
	v8 =	vld.idx.msk [tilespmem:v12+s12+$0x0], $0xffff  }
0x91: {  	v12 =	vadd.s32 s21, v2;
	v7 =	vadd.f32 v9, v7;
	v9 =	vld.idx.msk [tilespmem:v6+s13+$0x0], $0xffff  }
0x92: {  	s21 =	sadd.s32 $0x4, s19;
	v17 =	vadd.s32 v3, v13;
	v16 =	vld.idx.msk [tilespmem:v16+s12+$0x0], $0xffff  }
0x93: {  	v18 =	vadd.s32 s21, v2;
	v6 =	vadd.f32 v14, v7;
	v19 =	vld.idx.msk [tilespmem:v4+s13+$0x0], $0xffff  }
0x94: {  	s21 =	sadd.s32 $0x5, s19;
	v20 =	vadd.s32 v3, v10;
	v15 =	vld.idx.msk [tilespmem:v15+s12+$0x0], $0xffff  }
0x95: {  	v21 =	vadd.s32 s21, v2;
	v4 =	vadd.f32 v11, v6;
	v22 =	vld.idx.msk [tilespmem:v5+s13+$0x0], $0xffff  }
0x96: {  	s21 =	sadd.s32 $0x6, s19;
	v23 =	vadd.s32 v3, v8;
	v6 =	vld.idx.msk [tilespmem:v12+s12+$0x0], $0xffff  }
.Ltmp1:
0x97: {  	v13 =	vadd.s32 s21, v2;
	v5 =	vadd.f32 v9, v4;
	v7 =	vld.idx.msk [tilespmem:v17+s13+$0x0], $0xffff;
	(pc) =	sbr.rel @p0 .LBB2_4-.Ltmp1, $4  }
0x98: {  	s21 =	sadd.s32 $0x7, s19;
	s19 =	smov.u32 s20;
	v14 =	vadd.s32 v3, v16;
	v4 =	vld.idx.msk [tilespmem:v18+s12+$0x0], $0xffff  }
0x99: {  	v10 =	vadd.s32 s21, v2;
	v16 =	vadd.f32 v19, v5;
	v8 =	vld.idx.msk [tilespmem:v20+s13+$0x0], $0xffff  }
0x9a: {  	v11 =	vadd.s32 v3, v15;
	v5 =	vld.idx.msk [tilespmem:v21+s12+$0x0], $0xffff  }
0x9b: {  	s20 =	sadd.s32 $0x8, s20;
	v12 =	vadd.s32 s19, v2;
	v9 =	vld.idx.msk [tilespmem:v23+s13+$0x0], $0xffff;
	v15 =	vadd.f32 v22, v16  }
0x9c: {  	_ =	sdelay $0x3  }
0x9d: {  	s20 =	sadd.s32 $0x1, s19;
	v6 =	vadd.s32 v3, v6;
	v13 =	vld.idx.msk [tilespmem:v13+s12+$0x0], $0xffff;
	v7 =	vadd.f32 v7, v15  }
0x9e: {  	v14 =	vld.idx.msk [tilespmem:v14+s13+$0x0], $0xffff;
	v51 =	vadd.s32 s20, v2  }
0x9f: {  	s25 =	sadd.s32 $0x2, s19;
	v10 =	vld.idx.msk [tilespmem:v10+s12+$0x0], $0xffff;
	v4 =	vadd.s32 v3, v4;
	v7 =	vadd.f32 v8, v7  }
0xa0: {  	v11 =	vld.idx.msk [tilespmem:v11+s13+$0x0], $0xffff;
	v52 =	vadd.s32 s25, v2  }
0xa1: {  	v12 =	vld.idx.msk [tilespmem:v12+s12+$0x0], $0xffff;
	s26 =	sadd.s32 $0x3, s19;
	v5 =	vadd.s32 v3, v5;
	v7 =	vadd.f32 v9, v7  }
0xa2: {  	v53 =	vadd.s32 s26, v2;
	v6 =	vld.idx.msk [tilespmem:v6+s13+$0x0], $0xffff  }
0xa3: {  	s28 =	sadd.s32 $0x4, s19;
	v13 =	vadd.s32 v3, v13;
	v15 =	vld.idx.msk [tilespmem:v51+s12+$0x0], $0xffff;
	v7 =	vadd.f32 v14, v7  }
0xa4: {  	v54 =	vadd.s32 s28, v2;
	v4 =	vld.idx.msk [tilespmem:v4+s13+$0x0], $0xffff  }
0xa5: {  	s29 =	sadd.s32 $0x5, s19;
	v10 =	vadd.s32 v3, v10;
	v8 =	vld.idx.msk [tilespmem:v52+s12+$0x0], $0xffff;
	v7 =	vadd.f32 v11, v7  }
0xa6: {  	v55 =	vadd.s32 s29, v2;
	v5 =	vld.idx.msk [tilespmem:v5+s13+$0x0], $0xffff  }
0xa7: {  	s30 =	sadd.s32 $0x6, s19;
	v12 =	vadd.s32 v3, v12;
	v9 =	vld.idx.msk [tilespmem:v53+s12+$0x0], $0xffff;
	v6 =	vadd.f32 v6, v7  }
0xa8: {  	v56 =	vadd.s32 s30, v2;
	v13 =	vld.idx.msk [tilespmem:v13+s13+$0x0], $0xffff  }
0xa9: {  	s31 =	sadd.s32 $0x7, s19;
	v14 =	vld.idx.msk [tilespmem:v54+s12+$0x0], $0xffff;
	v15 =	vadd.s32 v3, v15;
	v4 =	vadd.f32 v4, v6  }
0xaa: {  	v57 =	vadd.s32 s31, v2;
	v10 =	vld.idx.msk [tilespmem:v10+s13+$0x0], $0xffff  }
0xab: {  	v11 =	vld.idx.msk [tilespmem:v55+s12+$0x0], $0xffff;
	v8 =	vadd.s32 v3, v8;
	v4 =	vadd.f32 v5, v4  }
0xac: {  	v5 =	vld.idx.msk [tilespmem:v12+s13+$0x0], $0xffff  }
0xad: {  	v9 =	vadd.s32 v3, v9;
	v7 =	vld.idx.msk [tilespmem:v56+s12+$0x0], $0xffff;
	v4 =	vadd.f32 v13, v4  }
0xae: {  	v58 =	vld.idx.msk [tilespmem:v15+s13+$0x0], $0xffff  }
0xaf: {  	v59 =	vadd.s32 v3, v14;
	v6 =	vld.idx.msk [tilespmem:v57+s12+$0x0], $0xffff;
	v4 =	vadd.f32 v10, v4  }
0xb0: {  	v8 =	vld.idx.msk [tilespmem:v8+s13+$0x0], $0xffff  }
0xb1: {  	v60 =	vadd.s32 v3, v11;
	v4 =	vadd.f32 v5, v4  }
0xb2: {  	v5 =	vld.idx.msk [tilespmem:v9+s13+$0x0], $0xffff  }
0xb3: {  	v7 =	vadd.s32 v3, v7;
	v4 =	vadd.f32 v58, v4  }
0xb4: {  	v61 =	vld.idx.msk [tilespmem:v59+s13+$0x0], $0xffff  }
0xb5: {  	v6 =	vadd.s32 v3, v6;
	v4 =	vadd.f32 v8, v4  }
0xb6: {  	v62 =	vld.idx.msk [tilespmem:v60+s13+$0x0], $0xffff  }
0xb7: {  	v63 =	vld [tilespmem:$0x30];
	v4 =	vadd.f32 v5, v4  }
0xb8: {  	v5 =	vld.idx.msk [tilespmem:v7+s13+$0x0], $0xffff  }
0xb9: {  	v4 =	vadd.f32 v61, v4  }
0xba: {  	v6 =	vld.idx.msk [tilespmem:v6+s13+$0x0], $0xffff  }
0xbb: {  	v4 =	vadd.f32 v62, v4;
	_ =	sdelay $0x1  }
0xbc: {  	v4 =	vadd.f32 v5, v4;
	v5 =	vadd.s32 v3, v63;
	_ =	sdelay $0x1  }
0xbd: {  	v4 =	vadd.f32 v6, v4;
	_ =	sdelay $0x1  }
0xbe: {  	[tilespmem:$0xFD50] =	vst v4  }
0xbf: {  	v4 =	vld.idx.msk [tilespmem:v5+s13+$0x0], $0xffff;
	_ =	sdelay $0x4  }
0xc0: {  	[tilespmem:$0xFD70] =	vst v4  }
0xc1: {  	[hbm4b:s7+s2] =	stream.linear.scatter [tilespmem:s16], [sflag:$0x3], $0x20, $0x38;
	[tilespmem:$0xFD80] =	vst v63  }
0xc2: {  	s18 =	sadd.s32 $0x1, s18;
	_ =	swait.ge [sflag:s10], $0x20  }
0xc3: {  	p0 =	sne.s32 s18, s9;
	[sflag:s10] =	ssyncset.done $0x0  }
.Ltmp2:
0xc4: {  	[sflag:s10] =	ssyncadd.s32 $0xFFFFFFE0;
	(pc) =	sbr.rel @p0 .LBB2_1-.Ltmp2, $4  }
0xc5: {  	[hbm4b:s8+s2] =	stream.linear.scatter [tilespmem:s17], [sflag:$0x3], $0x20, $0x38;
	[tilespmem:$0xFD80] =	vst v63  }
0xc6: {  	_ =	swait.ge [sflag:s10], $0x20  }
0xc7: {  	[sflag:s10] =	ssyncset.done $0x0  }
0xc8: {  	[sflag:s10] =	ssyncadd.s32 $0xFFFFFFE0  }
0xc9: {  	_ =	sfence.sel $0x180000  }
0xca: {  	[bflag:$0x0] =	sbarrier.arrive $0xFFFF  }
0xcb: {  	p0 =	sne.s32 s0, $0x0;
	_ =	strace $0x90000047  }
0xcc: {  	s0 =	sadd.s32 @!p0 $0x100000, s1;
	[bflag:$0x2] =	sbarrier.arrive $0xFFFF  }
0xcd: {  	[sflag:s0] =	ssyncadd.tile.s32 @!p0 $0x1;
	_ =	shalt  }
.Lfunc_end2:
_tile_overlayer_lowered:
.L_overlay_start_2:
0xce: {  	(tag) =	ssettag $0x2  }
0xcf: {  	s0 =	rddreg [dreg:$0x0];
	s2 =	stileid.u32  }
0xd0: {  	s1 =	rddreg [dreg:$0x1];
	p0 =	sne.s32 s2, $0x0  }
0xd1: {  	s3 =	rddreg [dreg:$0x2];
	[bflag:$0x3] =	sbarrier.arrive $0xFFFF;
	s2 =	simm.s32 @!p0 $0x1C03  }
0xd2: {  	[timem:s3], [sflag:s2] =	dma.local @!p0 [hbm:s0], s1  }
0xd3: {  	s0 =	simm.s32 @!p0 $0x3  }
0xd4: {  	_ =	swait.ge @!p0 [sflag:s0], s1  }
0xd5: {  	s1 =	ssub.s32 @!p0 $0x0, s1;
	[sflag:s0] =	ssyncset.done @!p0 $0x0  }
0xd6: {  	[sflag:s0] =	ssyncadd.s32 @!p0 s1  }
0xd7: {  	[bflag:$0x3] =	sbarrier.arrive $0xFFFF  }
0xd8: {  	_ =	shalt  }

</sc_bundles>
